<compile_context>
chip_gen: v7x
topology: tpu7x:2x2x1
jax: 0.10.2.dev20260603
libtpu: 0.0.44.dev20260713+nightly
codegen_flags: <defaults>
</compile_context>

<pallas_src>
import functools

import jax
import jax.numpy as jnp
from jax.experimental import pallas as pl
from jax.experimental.pallas import tpu as pltpu

_FT = 1024
_VT = 3200
_R = 8


def _gather_body(tok_ref, emb_ref, out_ref):
    del tok_ref
    out_ref[...] = emb_ref[...]


def _mlp_body(h0_ref, w1_ref, b1_ref, w2_ref, b2_ref, out_ref, h_s, acc, *,
              n_blocks, n_ff):
    i = pl.program_id(0)
    j = pl.program_id(1)

    @pl.when(jnp.logical_and(i == 0, j == 0))
    def _():
        h_s[...] = h0_ref[...]

    @pl.when(j == 0)
    def _():
        acc[...] = h_s[...]

    h = h_s[...]
    mid = jnp.maximum(
        jnp.dot(h, w1_ref[0], preferred_element_type=jnp.float32,
                precision=jax.lax.Precision.HIGHEST) + b1_ref[0], 0.0)
    acc[...] += jnp.dot(mid, w2_ref[0], preferred_element_type=jnp.float32,
                        precision=jax.lax.Precision.HIGHEST)

    @pl.when(j == n_ff - 1)
    def _():
        h_s[...] = acc[...] + b2_ref[0]

    @pl.when(jnp.logical_and(i == n_blocks - 1, j == n_ff - 1))
    def _():
        out_ref[...] = acc[...] + b2_ref[0]


def _proj_body(h_ref, wout_ref, bout_ref, out_ref):
    res = jnp.dot(h_ref[...], wout_ref[...], preferred_element_type=jnp.float32,
                  precision=jax.lax.Precision.HIGHEST) + bout_ref[...]
    out_ref[...] = res[0:4]


def kernel(X, emb, W1, b1, W2, b2, Wout, bout):
    batch, _ = X.shape
    vocab, d_model = emb.shape
    n_blocks, _, d_ff = W1.shape
    n_ff = d_ff // _FT
    n_vt = vocab // _VT
    sub = d_model // 128

    tokens = jnp.pad(X[:, -1], (0, _R - batch))

    emb3 = emb.reshape(vocab, sub, 128)
    h0 = pl.pallas_call(
        _gather_body,
        grid_spec=pltpu.PrefetchScalarGridSpec(
            num_scalar_prefetch=1,
            grid=(_R,),
            in_specs=[pl.BlockSpec((1, sub, 128), lambda t, tok: (tok[t], 0, 0))],
            out_specs=pl.BlockSpec((1, sub, 128), lambda t, tok: (t, 0, 0)),
        ),
        out_shape=jax.ShapeDtypeStruct((_R, sub, 128), jnp.float32),
    )(tokens, emb3).reshape(_R, d_model)

    h_final = pl.pallas_call(
        functools.partial(_mlp_body, n_blocks=n_blocks, n_ff=n_ff),
        grid=(n_blocks, n_ff),
        in_specs=[
            pl.BlockSpec((_R, d_model), lambda i, j: (0, 0)),
            pl.BlockSpec((1, d_model, _FT), lambda i, j: (i, 0, j)),
            pl.BlockSpec((1, 1, _FT), lambda i, j: (i, 0, j)),
            pl.BlockSpec((1, _FT, d_model), lambda i, j: (i, j, 0)),
            pl.BlockSpec((1, 1, d_model), lambda i, j: (i, 0, 0)),
        ],
        out_specs=pl.BlockSpec((_R, d_model), lambda i, j: (0, 0)),
        out_shape=jax.ShapeDtypeStruct((_R, d_model), jnp.float32),
        scratch_shapes=[
            pltpu.VMEM((_R, d_model), jnp.float32),
            pltpu.VMEM((_R, d_model), jnp.float32),
        ],
        compiler_params=pltpu.CompilerParams(
            dimension_semantics=("arbitrary", "arbitrary")),
    )(h0, W1, b1.reshape(n_blocks, 1, d_ff), W2, b2.reshape(n_blocks, 1, d_model))

    logits = pl.pallas_call(
        _proj_body,
        grid=(n_vt,),
        in_specs=[
            pl.BlockSpec((_R, d_model), lambda v: (0, 0)),
            pl.BlockSpec((d_model, _VT), lambda v: (0, v)),
            pl.BlockSpec((1, _VT), lambda v: (0, v)),
        ],
        out_specs=pl.BlockSpec((batch, _VT), lambda v: (0, v)),
        out_shape=jax.ShapeDtypeStruct((batch, vocab), jnp.float32),
        compiler_params=pltpu.CompilerParams(
            dimension_semantics=("arbitrary",)),
    )(h_final, Wout, bout.reshape(1, vocab))

    return logits

# --- scband reference (transcript-rebuilt; emitter-appended) ---
"""Pipeline reference for scband-mixtof-exp-56118042689598 (READ-ONLY COPY).

The authoritative reference and input builder live on the scoring server;
editing this copy changes nothing except your own understanding.
"""

import jax, jax.numpy as jnp
import numpy as np

VOCAB = 32000
D_MODEL = 1024
D_FF = 4096
N_BLOCKS = 4  # force_passage = [1,2,3,4,-1] -> 4 expert blocks applied, PASSAGE_STOP(-1) ends
BATCH = 4
SEQ = 2048


def setup_inputs(seed: int = 0) -> dict:
    key = jax.random.key(seed)
    ks = jax.random.split(key, 8)
    X = jax.random.randint(ks[0], (BATCH, SEQ), 0, VOCAB, dtype=jnp.int32)
    emb = jax.random.normal(ks[1], (VOCAB, D_MODEL), dtype=jnp.float32) * 0.02
    W1 = jax.random.normal(ks[2], (N_BLOCKS, D_MODEL, D_FF), dtype=jnp.float32) * 0.02
    b1 = jnp.zeros((N_BLOCKS, D_FF), dtype=jnp.float32)
    W2 = jax.random.normal(ks[3], (N_BLOCKS, D_FF, D_MODEL), dtype=jnp.float32) * 0.02
    b2 = jnp.zeros((N_BLOCKS, D_MODEL), dtype=jnp.float32)
    Wout = jax.random.normal(ks[4], (D_MODEL, VOCAB), dtype=jnp.float32) * 0.02
    bout = jnp.zeros((VOCAB,), dtype=jnp.float32)
    return {"X": X, "emb": emb, "W1": W1, "b1": b1, "W2": W2, "b2": b2, "Wout": Wout, "bout": bout}


def reference(X, emb, W1, b1, W2, b2, Wout, bout):
    # Embedding lookup (SparseCore gather)
    h = jnp.take(emb, X, axis=0)  # [B, S, D]
    # force_passage path: sequentially pass through the forced expert blocks
    # (each Block modeled as a residual 2-layer MLP expert, the standard MoE expert form)
    for i in range(W1.shape[0]):
        h = h + jax.nn.relu(h @ W1[i] + b1[i]) @ W2[i] + b2[i]
    # NextTokenPrediction: project last position's hidden state to vocab logits
    logits = h[:, -1, :] @ Wout + bout  # [B, VOCAB]
    return logits

if __name__ == "__main__":
    import jax
    _d = setup_inputs()
    print(jax.jit(kernel)(*tuple(_d.values())))

</pallas_src>

<mosaic_0001>
module attributes {stable_mosaic.version = 14 : i64} {
  func.func @_gather_body(%arg0: i32, %arg1: memref<8xi32, #tpu.memory_space<smem>>, %arg2: memref<1x8x128xf32, #tpu.memory_space<vmem>>, %arg3: memref<1x8x128xf32, #tpu.memory_space<vmem>>) attributes {dimension_semantics = [#tpu.dimension_semantics<arbitrary>], iteration_bounds = array<i64: 8>, scalar_prefetch = 1 : i64, scratch_operands = 0 : i64, tpu.core_type = #tpu.core_type<tc>, window_params = [{transform_indices = @transform_0, window_bounds = array<i64: 1, 8, 128>}, {transform_indices = @transform_1, window_bounds = array<i64: 1, 8, 128>}]} {
    %get3A = arith.constant 0 : index
    %get3A_0 = arith.constant 0 : index
    %get3A_1 = arith.constant 0 : index
    %get3A_2 = vector.load %arg2[%get3A, %get3A_0, %get3A_1] : memref<1x8x128xf32, #tpu.memory_space<vmem>>, vector<1x8x128xf32>
    %swap3A = arith.constant 0 : index
    %swap3A_3 = arith.constant 0 : index
    %swap3A_4 = arith.constant 0 : index
    %swap3A_5 = vector.load %arg3[%swap3A, %swap3A_3, %swap3A_4] : memref<1x8x128xf32, #tpu.memory_space<vmem>>, vector<1x8x128xf32>
    tpu.vector_store %arg3[%swap3A, %swap3A_3, %swap3A_4], %get3A_2 {strides = array<i32>} : memref<1x8x128xf32, #tpu.memory_space<vmem>>, vector<1x8x128xf32>,
    return
  }
  func.func @transform_0(%arg0: i32, %arg1: memref<8xi32, #tpu.memory_space<smem>>) -> (i32, i32, i32) {
    %get3A = arith.index_cast %arg0 : i32 to index
    %get3A_0 = memref.load %arg1[%get3A] : memref<8xi32, #tpu.memory_space<smem>>
    %c0_i32 = arith.constant 0 : i32
    %c0_i32_1 = arith.constant 0 : i32
    %c0_i32_2 = arith.constant 0 : i32
    return %get3A_0, %c0_i32, %c0_i32_1 : i32, i32, i32
  }
  func.func @transform_1(%arg0: i32, %arg1: memref<8xi32, #tpu.memory_space<smem>>) -> (i32, i32, i32) {
    %c0_i32 = arith.constant 0 : i32
    %c0_i32_0 = arith.constant 0 : i32
    %c0_i32_1 = arith.constant 0 : i32
    return %arg0, %c0_i32, %c0_i32_0 : i32, i32, i32
  }
}

module attributes {stable_mosaic.version = 14 : i64} {
  func.func @_proj_body(%arg0: i32, %arg1: memref<8x1024xf32, #tpu.memory_space<vmem>>, %arg2: memref<1024x3200xf32, #tpu.memory_space<vmem>>, %arg3: memref<1x3200xf32, #tpu.memory_space<vmem>>, %arg4: memref<4x3200xf32, #tpu.memory_space<vmem>>) attributes {dimension_semantics = [#tpu.dimension_semantics<arbitrary>], iteration_bounds = array<i64: 10>, scalar_prefetch = 0 : i64, scratch_operands = 0 : i64, tpu.core_type = #tpu.core_type<tc>, window_params = [{pipeline_mode = #tpu.pipeline_mode<synchronous>, transform_indices = @transform_0, window_bounds = array<i64: 8, 1024>}, {transform_indices = @transform_1, window_bounds = array<i64: 1024, 3200>}, {transform_indices = @transform_2, window_bounds = array<i64: 1, 3200>}, {transform_indices = @transform_3, window_bounds = array<i64: 4, 3200>}]} {
    %get3A = arith.constant 0 : index
    %get3A_0 = arith.constant 0 : index
    %get3A_1 = vector.load %arg1[%get3A, %get3A_0] : memref<8x1024xf32, #tpu.memory_space<vmem>>, vector<8x1024xf32>
    %get3A_2 = arith.constant 0 : index
    %get3A_3 = arith.constant 0 : index
    %get3A_4 = vector.load %arg2[%get3A_2, %get3A_3] : memref<1024x3200xf32, #tpu.memory_space<vmem>>, vector<1024x3200xf32>
    %dot_general3A = arith.constant dense<0.000000e+00> : vector<8x3200xf32>
    %dot_general3A_5 = tpu.matmul %get3A_1, %get3A_4, %dot_general3A {dimension_numbers = #tpu.dot_dimension_numbers<[1], [0], [0], [1], [0, 0, 1, 1], [], []>, precision = #tpu.contract_precision<fp32>, transpose_lhs_hint = false} : vector<8x1024xf32>, vector<1024x3200xf32>, vector<8x3200xf32> -> vector<8x3200xf32>
    %get3A_6 = arith.constant 0 : index
    %get3A_7 = arith.constant 0 : index
    %get3A_8 = vector.load %arg3[%get3A_6, %get3A_7] : memref<1x3200xf32, #tpu.memory_space<vmem>>, vector<1x3200xf32>
    %add3A = vector.broadcast %get3A_8 : vector<1x3200xf32> to vector<8x3200xf32>
    %add3A_9 = arith.addf %dot_general3A_5, %add3A : vector<8x3200xf32>
    %slice3A = vector.extract_strided_slice %add3A_9 {offsets = [0, 0], sizes = [4, 3200], strides = [1, 1]} : vector<8x3200xf32> to vector<4x3200xf32>
    %swap3A = arith.constant 0 : index
    %swap3A_10 = arith.constant 0 : index
    %swap3A_11 = vector.load %arg4[%swap3A, %swap3A_10] : memref<4x3200xf32, #tpu.memory_space<vmem>>, vector<4x3200xf32>
    tpu.vector_store %arg4[%swap3A, %swap3A_10], %slice3A {strides = array<i32>} : memref<4x3200xf32, #tpu.memory_space<vmem>>, vector<4x3200xf32>,
    return
  }
  func.func @transform_0(%arg0: i32) -> (i32, i32) {
    %c0_i32 = arith.constant 0 : i32
    %c0_i32_0 = arith.constant 0 : i32
    %c0_i32_1 = arith.constant 0 : i32
    return %c0_i32, %c0_i32_0 : i32, i32
  }
  func.func @transform_1(%arg0: i32) -> (i32, i32) {
    %c0_i32 = arith.constant 0 : i32
    %c0_i32_0 = arith.constant 0 : i32
    return %c0_i32, %arg0 : i32, i32
  }
  func.func @transform_2(%arg0: i32) -> (i32, i32) {
    %c0_i32 = arith.constant 0 : i32
    %c0_i32_0 = arith.constant 0 : i32
    return %c0_i32, %arg0 : i32, i32
  }
  func.func @transform_3(%arg0: i32) -> (i32, i32) {
    %c0_i32 = arith.constant 0 : i32
    %c0_i32_0 = arith.constant 0 : i32
    return %c0_i32, %arg0 : i32, i32
  }
}

module attributes {stable_mosaic.version = 14 : i64} {
  func.func @_mlp_body(%arg0: i32, %arg1: i32, %arg2: memref<8x1024xf32, #tpu.memory_space<vmem>>, %arg3: memref<1x1024x1024xf32, #tpu.memory_space<vmem>>, %arg4: memref<1x1x1024xf32, #tpu.memory_space<vmem>>, %arg5: memref<1x1024x1024xf32, #tpu.memory_space<vmem>>, %arg6: memref<1x1x1024xf32, #tpu.memory_space<vmem>>, %arg7: memref<8x1024xf32, #tpu.memory_space<vmem>>, %arg8: memref<8x1024xf32, #tpu.memory_space<vmem>>, %arg9: memref<8x1024xf32, #tpu.memory_space<vmem>>) attributes {dimension_semantics = [#tpu.dimension_semantics<arbitrary>, #tpu.dimension_semantics<arbitrary>], iteration_bounds = array<i64: 4, 4>, scalar_prefetch = 0 : i64, scratch_operands = 2 : i64, tpu.core_type = #tpu.core_type<tc>, window_params = [{pipeline_mode = #tpu.pipeline_mode<synchronous>, transform_indices = @transform_0, window_bounds = array<i64: 8, 1024>}, {transform_indices = @transform_1, window_bounds = array<i64: 1, 1024, 1024>}, {transform_indices = @transform_2, window_bounds = array<i64: 1, 1, 1024>}, {transform_indices = @transform_3, window_bounds = array<i64: 1, 1024, 1024>}, {transform_indices = @transform_4, window_bounds = array<i64: 1, 1, 1024>}, {pipeline_mode = #tpu.pipeline_mode<synchronous>, transform_indices = @transform_5, window_bounds = array<i64: 8, 1024>}]} {
    %eq3A = arith.constant 0 : i32
    %eq3A_0 = arith.cmpi eq, %arg0, %eq3A : i32
    %eq3A_1 = arith.constant 0 : i32
    %eq3A_2 = arith.cmpi eq, %arg1, %eq3A_1 : i32
    %and3A = arith.andi %eq3A_0, %eq3A_2 : i1
    %convert_element_type3A = arith.extui %and3A : i1 to i32
    %cond3A = arith.constant 0 : i32
    %cond3A_3 = arith.cmpi ne, %convert_element_type3A, %cond3A : i32
    scf.if %cond3A_3 {
      %get3A_51 = arith.constant 0 : index
      %get3A_52 = arith.constant 0 : index
      %get3A_53 = vector.load %arg2[%get3A_51, %get3A_52] : memref<8x1024xf32, #tpu.memory_space<vmem>>, vector<8x1024xf32>
      %swap3A_54 = arith.constant 0 : index
      %swap3A_55 = arith.constant 0 : index
      %swap3A_56 = vector.load %arg8[%swap3A_54, %swap3A_55] : memref<8x1024xf32, #tpu.memory_space<vmem>>, vector<8x1024xf32>
      tpu.vector_store %arg8[%swap3A_54, %swap3A_55], %get3A_53 {strides = array<i32>} : memref<8x1024xf32, #tpu.memory_space<vmem>>, vector<8x1024xf32>,
    } else {
    }
    %eq3A_4 = arith.constant 0 : i32
    %eq3A_5 = arith.cmpi eq, %arg1, %eq3A_4 : i32
    %convert_element_type3A_6 = arith.extui %eq3A_5 : i1 to i32
    %cond3A_7 = arith.constant 0 : i32
    %cond3A_8 = arith.cmpi ne, %convert_element_type3A_6, %cond3A_7 : i32
    scf.if %cond3A_8 {
      %get3A_51 = arith.constant 0 : index
      %get3A_52 = arith.constant 0 : index
      %get3A_53 = vector.load %arg8[%get3A_51, %get3A_52] : memref<8x1024xf32, #tpu.memory_space<vmem>>, vector<8x1024xf32>
      %swap3A_54 = arith.constant 0 : index
      %swap3A_55 = arith.constant 0 : index
      %swap3A_56 = vector.load %arg9[%swap3A_54, %swap3A_55] : memref<8x1024xf32, #tpu.memory_space<vmem>>, vector<8x1024xf32>
      tpu.vector_store %arg9[%swap3A_54, %swap3A_55], %get3A_53 {strides = array<i32>} : memref<8x1024xf32, #tpu.memory_space<vmem>>, vector<8x1024xf32>,
    } else {
    }
    %get3A = arith.constant 0 : index
    %get3A_9 = arith.constant 0 : index
    %get3A_10 = vector.load %arg8[%get3A, %get3A_9] : memref<8x1024xf32, #tpu.memory_space<vmem>>, vector<8x1024xf32>
    %get3A_11 = arith.constant 0 : index
    %get3A_12 = arith.constant 0 : index
    %get3A_13 = arith.constant 0 : index
    %get3A_14 = vector.load %arg3[%get3A_11, %get3A_12, %get3A_13] : memref<1x1024x1024xf32, #tpu.memory_space<vmem>>, vector<1x1024x1024xf32>
    %get3A_15 = vector.shape_cast %get3A_14 : vector<1x1024x1024xf32> to vector<1024x1024xf32>
    %dot_general3A = arith.constant dense<0.000000e+00> : vector<8x1024xf32>
    %dot_general3A_16 = tpu.matmul %get3A_10, %get3A_15, %dot_general3A {dimension_numbers = #tpu.dot_dimension_numbers<[1], [0], [0], [1], [0, 0, 1, 1], [], []>, precision = #tpu.contract_precision<fp32>, transpose_lhs_hint = false} : vector<8x1024xf32>, vector<1024x1024xf32>, vector<8x1024xf32> -> vector<8x1024xf32>
    %get3A_17 = arith.constant 0 : index
    %get3A_18 = arith.constant 0 : index
    %get3A_19 = arith.constant 0 : index
    %get3A_20 = vector.load %arg4[%get3A_17, %get3A_18, %get3A_19] : memref<1x1x1024xf32, #tpu.memory_space<vmem>>, vector<1x1x1024xf32>
    %get3A_21 = vector.shape_cast %get3A_20 : vector<1x1x1024xf32> to vector<1x1024xf32>
    %add3A = vector.broadcast %get3A_21 : vector<1x1024xf32> to vector<8x1024xf32>
    %add3A_22 = arith.addf %dot_general3A_16, %add3A : vector<8x1024xf32>
    %max3A = arith.constant 0.000000e+00 : f32
    %max3A_23 = vector.broadcast %max3A : f32 to vector<8x1024xf32>
    %max3A_24 = arith.maximumf %add3A_22, %max3A_23 : vector<8x1024xf32>
    %get3A_25 = arith.constant 0 : index
    %get3A_26 = arith.constant 0 : index
    %get3A_27 = vector.load %arg9[%get3A_25, %get3A_26] : memref<8x1024xf32, #tpu.memory_space<vmem>>, vector<8x1024xf32>
    %get3A_28 = arith.constant 0 : index
    %get3A_29 = arith.constant 0 : index
    %get3A_30 = arith.constant 0 : index
    %get3A_31 = vector.load %arg5[%get3A_28, %get3A_29, %get3A_30] : memref<1x1024x1024xf32, #tpu.memory_space<vmem>>, vector<1x1024x1024xf32>
    %get3A_32 = vector.shape_cast %get3A_31 : vector<1x1024x1024xf32> to vector<1024x1024xf32>
    %dot_general3A_33 = arith.constant dense<0.000000e+00> : vector<8x1024xf32>
    %dot_general3A_34 = tpu.matmul %max3A_24, %get3A_32, %dot_general3A_33 {dimension_numbers = #tpu.dot_dimension_numbers<[1], [0], [0], [1], [0, 0, 1, 1], [], []>, precision = #tpu.contract_precision<fp32>, transpose_lhs_hint = false} : vector<8x1024xf32>, vector<1024x1024xf32>, vector<8x1024xf32> -> vector<8x1024xf32>
    %add3A_35 = arith.addf %get3A_27, %dot_general3A_34 : vector<8x1024xf32>
    %swap3A = arith.constant 0 : index
    %swap3A_36 = arith.constant 0 : index
    %swap3A_37 = vector.load %arg9[%swap3A, %swap3A_36] : memref<8x1024xf32, #tpu.memory_space<vmem>>, vector<8x1024xf32>
    tpu.vector_store %arg9[%swap3A, %swap3A_36], %add3A_35 {strides = array<i32>} : memref<8x1024xf32, #tpu.memory_space<vmem>>, vector<8x1024xf32>,
    %eq3A_38 = arith.constant 3 : i32
    %eq3A_39 = arith.cmpi eq, %arg1, %eq3A_38 : i32
    %convert_element_type3A_40 = arith.extui %eq3A_39 : i1 to i32
    %cond3A_41 = arith.constant 0 : i32
    %cond3A_42 = arith.cmpi ne, %convert_element_type3A_40, %cond3A_41 : i32
    scf.if %cond3A_42 {
      %get3A_51 = arith.constant 0 : index
      %get3A_52 = arith.constant 0 : index
      %get3A_53 = vector.load %arg9[%get3A_51, %get3A_52] : memref<8x1024xf32, #tpu.memory_space<vmem>>, vector<8x1024xf32>
      %get3A_54 = arith.constant 0 : index
      %get3A_55 = arith.constant 0 : index
      %get3A_56 = arith.constant 0 : index
      %get3A_57 = vector.load %arg6[%get3A_54, %get3A_55, %get3A_56] : memref<1x1x1024xf32, #tpu.memory_space<vmem>>, vector<1x1x1024xf32>
      %get3A_58 = vector.shape_cast %get3A_57 : vector<1x1x1024xf32> to vector<1x1024xf32>
      %add3A_59 = vector.broadcast %get3A_58 : vector<1x1024xf32> to vector<8x1024xf32>
      %add3A_60 = arith.addf %get3A_53, %add3A_59 : vector<8x1024xf32>
      %swap3A_61 = arith.constant 0 : index
      %swap3A_62 = arith.constant 0 : index
      %swap3A_63 = vector.load %arg8[%swap3A_61, %swap3A_62] : memref<8x1024xf32, #tpu.memory_space<vmem>>, vector<8x1024xf32>
      tpu.vector_store %arg8[%swap3A_61, %swap3A_62], %add3A_60 {strides = array<i32>} : memref<8x1024xf32, #tpu.memory_space<vmem>>, vector<8x1024xf32>,
    } else {
    }
    %eq3A_43 = arith.constant 3 : i32
    %eq3A_44 = arith.cmpi eq, %arg0, %eq3A_43 : i32
    %eq3A_45 = arith.constant 3 : i32
    %eq3A_46 = arith.cmpi eq, %arg1, %eq3A_45 : i32
    %and3A_47 = arith.andi %eq3A_44, %eq3A_46 : i1
    %convert_element_type3A_48 = arith.extui %and3A_47 : i1 to i32
    %cond3A_49 = arith.constant 0 : i32
    %cond3A_50 = arith.cmpi ne, %convert_element_type3A_48, %cond3A_49 : i32
    scf.if %cond3A_50 {
      %get3A_51 = arith.constant 0 : index
      %get3A_52 = arith.constant 0 : index
      %get3A_53 = vector.load %arg9[%get3A_51, %get3A_52] : memref<8x1024xf32, #tpu.memory_space<vmem>>, vector<8x1024xf32>
      %get3A_54 = arith.constant 0 : index
      %get3A_55 = arith.constant 0 : index
      %get3A_56 = arith.constant 0 : index
      %get3A_57 = vector.load %arg6[%get3A_54, %get3A_55, %get3A_56] : memref<1x1x1024xf32, #tpu.memory_space<vmem>>, vector<1x1x1024xf32>
      %get3A_58 = vector.shape_cast %get3A_57 : vector<1x1x1024xf32> to vector<1x1024xf32>
      %add3A_59 = vector.broadcast %get3A_58 : vector<1x1024xf32> to vector<8x1024xf32>
      %add3A_60 = arith.addf %get3A_53, %add3A_59 : vector<8x1024xf32>
      %swap3A_61 = arith.constant 0 : index
      %swap3A_62 = arith.constant 0 : index
      %swap3A_63 = vector.load %arg7[%swap3A_61, %swap3A_62] : memref<8x1024xf32, #tpu.memory_space<vmem>>, vector<8x1024xf32>
      tpu.vector_store %arg7[%swap3A_61, %swap3A_62], %add3A_60 {strides = array<i32>} : memref<8x1024xf32, #tpu.memory_space<vmem>>, vector<8x1024xf32>,
    } else {
    }
    return
  }
  func.func @transform_0(%arg0: i32, %arg1: i32) -> (i32, i32) {
    %c0_i32 = arith.constant 0 : i32
    %c0_i32_0 = arith.constant 0 : i32
    %c0_i32_1 = arith.constant 0 : i32
    return %c0_i32, %c0_i32_0 : i32, i32
  }
  func.func @transform_1(%arg0: i32, %arg1: i32) -> (i32, i32, i32) {
    %c0_i32 = arith.constant 0 : i32
    %c0_i32_0 = arith.constant 0 : i32
    return %arg0, %c0_i32, %arg1 : i32, i32, i32
  }
  func.func @transform_2(%arg0: i32, %arg1: i32) -> (i32, i32, i32) {
    %c0_i32 = arith.constant 0 : i32
    %c0_i32_0 = arith.constant 0 : i32
    return %arg0, %c0_i32, %arg1 : i32, i32, i32
  }
  func.func @transform_3(%arg0: i32, %arg1: i32) -> (i32, i32, i32) {
    %c0_i32 = arith.constant 0 : i32
    %c0_i32_0 = arith.constant 0 : i32
    return %arg0, %arg1, %c0_i32 : i32, i32, i32
  }
  func.func @transform_4(%arg0: i32, %arg1: i32) -> (i32, i32, i32) {
    %c0_i32 = arith.constant 0 : i32
    %c0_i32_0 = arith.constant 0 : i32
    %c0_i32_1 = arith.constant 0 : i32
    return %arg0, %c0_i32, %c0_i32_0 : i32, i32, i32
  }
  func.func @transform_5(%arg0: i32, %arg1: i32) -> (i32, i32) {
    %c0_i32 = arith.constant 0 : i32
    %c0_i32_0 = arith.constant 0 : i32
    %c0_i32_1 = arith.constant 0 : i32
    return %c0_i32, %c0_i32_0 : i32, i32
  }
}

</mosaic_0001>

<sc_bundles>
// kernel: sparse-core-data-format-call.cloned.1.call-start
scs
called_computation_lowered:
.L_overlay_start_0:
0x0: {  	s2 =	sld [smem:$0x3FD9]  }
0x1: {  	s3 =	sld [smem:$0x3FFE];
	_ =	sdelay $0x1  }
0x2: {  	s1 =	srdreg.scid  }
0x3: {  	s0 =	sand.u32 $0x1, s1  }
0x4: {  	s18 =	sshll.u32 s0, $0xA;
	s2 =	sadd.s32 s3, s2  }
0x5: {  	s2 =	sadd.s32 s2, s18  }
0x6: {  	[smem:$0x3FC0] =	sst s2  }
0x7: {  	_ = 	snop  }
0x8: {  	s2 =	sld [smem:$0x3FC8];
	(tm) =	ssettm $0x1  }
0x9: {  	s19 =	sld [smem:$0x3FFB];
	_ =	sdelay $0x3  }
0xa: {  	_ =	strace s19  }
0xb: {  	s3 =	sld [smem:$0x3FFC];
	_ =	sdelay $0x3  }
0xc: {  	_ =	strace s3  }
0xd: {  	s3 =	sld [smem:$0x3FFD];
	_ =	sdelay $0x3  }
0xe: {  	_ =	strace s3  }
0xf: {  	_ =	strace $0x8FFFFFFF  }
0x10: {  	s20 =	sld [smem:$0x3FDB];
	_ =	sdelay $0x1  }
0x11: {  	s4 =	simm.s32 $_scs_section_size  }
0x12: {  	s5 =	simm.s32 $_size__tile_overlayer_lowered;
	s6 =	simm.s32 $_tile_overlayer_lowered  }
0x13: {  	s23 =	simm.s32 $0x1BFF;
	s22 =	sshll.u32 s6, $0x1;
	s3 =	sadd.s32 s4, s20  }
0x14: {  	s7 =	simm.s32 $0x0;
	s21 =	sshll.u32 s5, $0x1;
	s5 =	sadd.s32 s22, s3  }
0x15: {  	[timem:s7], [sflag:s23] =	dma.local [hbm:s5], s21  }
0x16: {  	_ =	swait.ge [sflag:s23], s21  }
0x17: {  	s4 =	ssub.s32 $0x0, s21;
	[sflag:s23] =	ssyncset.done $0x0  }
0x18: {  	[sflag:s23] =	ssyncadd.s32 s4;
	_ =	sdelay $0x1  }
0x19: {  	s24 =	simm.s32 $0x1B8B  }
0x1a: {  	_ =	swait.ge [sflag:s24], $0x1  }
0x1b: {  	[sflag:s24] =	ssyncset.done $0x0  }
0x1c: {  	s26 =	simm.s32 $0x1B8E;
	s25 =	sld [smem:$0x3FFE];
	[sflag:s24] =	ssyncadd.s32 $0xFFFFFFFF  }
0x1d: {  	s27 =	simm.s32 $execute0_lowered;
	[smem:$0x3FD2] =	sst s26  }
0x1e: {  	s5 =	sshll.u32 s27, $0x1;
	_ =	strace $0x80000046;
	[dreg:$0x1] =	wrdreg $0xFFFFFFFF  }
0x1f: {  	s28 =	simm.s32 $_size_execute0_lowered;
	s3 =	sadd.s32 s3, s5;
	[dreg:$0x0] =	wrdreg $0x0  }
0x20: {  	s5 =	sshll.u32 s28, $0x1;
	[dreg:$0x2] =	wrdreg s3  }
0x21: {  	[dreg:$0x3] =	wrdreg s5  }
0x22: {  	[dreg:$0x4] =	wrdreg $0xC0  }
0x23: {  	_ =	task [dreg:s7], $0x5FFFF  }
0x24: {  	[dreg:$0x1] =	wrdreg $0xFFFFFFFF  }
0x25: {  	[dreg:$0x0] =	wrdreg $0x60  }
0x26: {  	[dreg:$0x2] =	wrdreg s2  }
0x27: {  	[dreg:$0x3] =	wrdreg s25  }
0x28: {  	[dreg:$0x4] =	wrdreg $0x9  }
0x29: {  	_ =	task.clear_ibuf [dreg:s7], $0x5FFFF;
	_ =	strace $0x90000046  }
0x2a: {  	s29 =	simm.s32 $0x9;
	_ =	strace $0x80000048  }
0x2b: {  	_ =	swait.ge [sflag:s29], $0x1  }
0x2c: {  	[sflag:s29] =	ssyncadd.s32 $0xFFFFFFFF  }
0x2d: {  	_ =	strace $0x90000048  }
0x2e: {  	_ =	sfence  }
0x2f: {  	s30 =	sld [smem:$0x0];
	_ =	sdelay $0x2  }
0x30: {  	s31 =	sshll.u32 s1, $0xD;
	s1 =	sshrl.u32 s1, $0x2  }
0x31: {  	s3 =	sand.u32 $0x4000, s31;
	s1 =	sadd.s32 s1, s30  }
0x32: {  	s0 =	sor.u32 s3, s0;
	s1 =	sshll.u32 s1, $0x11  }
0x33: {  	s0 =	sor.u32 s1, s0  }
0x34: {  	s0 =	sadd.s32 $0x8F2B, s0  }
0x35: {  	[sflag:s0] =	ssyncadd.remote.s32 $0x1  }
0x36: {  	_ =	sfence.sel $0xFFFF  }
0x37: {  	[dreg:$0x0] =	wrdreg $0xFFFFFFFF;
	(pc) =	sbr.abs _section_cstart, $3  }
0x38: {  	[dreg:$0x1] =	wrdreg $0xFFFFFFFF  }
0x39: {  	_ =	task.clear_ibuf [dreg:s7], $0x2FFFF;
	_ =	strace $0x9FFFFFFF  }
0x3a: {  	(tm) =	ssettm $0x7FFFFFFF  }
0x3b: {  	_ =	shalt  }
tec
execute0_lowered:
.L_overlay_start_1:
0x0: {  	(tag) =	ssettag $0x1  }
0x1: {  	s0 =	srdreg.scid  }
0x2: {  	s1 =	sshll.u32 s0, $0x4  }
0x3: {  	s2 =	rddreg [dreg:$0x0];
	s0 =	stileid.u32;
	s1 =	sand.u32 $0x10, s1  }
0x4: {  	s4 =	rddreg [dreg:$0x1];
	s7 =	simm.s32 $0x1;
	s1 =	sor.u32 s0, s1  }
0x5: {  	s8 =	simm.s32 $0x2;
	s9 =	simm.s32 $0x0;
	s3 =	sshll.u32 s1, $0x1  }
0x6: {  	s12 =	simm.s32 $0x0;
	s11 =	simm.s32 $0x0;
	s6 =	ssub.s32 $0xFA0, s3  }
.Ltmp0:
0x7: {  	s4 =	sadd.s32 $0x600, s4;
	s5 =	sand.u32 $0x3E, s6;
	(pc) =	sbr.rel .LBB1_1-.Ltmp0, $4  }
0x8: {  	s1 =	rddreg [dreg:$0x2];
	_ =	strace $0x80000047;
	p0 =	sne.s32 s5, $0x0  }
0x9: {  	s6 =	sshrl.u32 s6, $0x6;
	s5 =	simm.s32 $0x1;
	s7 =	simm.s32 @!p0 $0x0  }
0xa: {  	s10 =	smov.u32 s3;
	[sflag:s5] =	ssyncpa.u1 $0x0;
	s6 =	sadd.s32 s7, s6  }
0xb: {  	[sflag:s8] =	ssyncpa.u1 $0x0;
	s8 =	simm.s32 $0x0;
	s7 =	sadd.s32 $0x1, s6  }
.LBB1_9:
0xc: {  	s14 =	sadd.s32 $0x40, s10  }
0xd: {  	p1 =	sgt.s32 s14, $0xF9F  }
0xe: {  	s14 =	smov.u32 @p1 s3;
	p1 =	sne.s32 s11, s7  }
.Ltmp1:
0xf: {  	p0 =	slt.u32 s11, $0x2;
	(pc) =	sbr.rel @!p1 .LBB1_10-.Ltmp1, $4  }
0x10: {  	s13 =	simm.s32 @!p0 $0x2  }
0x11: {  	s15 =	sadd.s32 $0x1, s11;
	_ =	swait.ge @!p0 [sflag:s13], $0x4000  }
0x12: {  	s12 =	smov.u32 s10;
	s9 =	sadd.s32 $0x4000, s9;
	[sflag:s13] =	ssyncset.done @!p0 $0x0  }
0x13: {  	s11 =	smov.u32 s15;
	s10 =	smov.u32 s14;
	[sflag:s13] =	ssyncadd.s32 @!p0 $0xFFFFC000  }
.LBB1_1:
0x14: {  	p0 =	sge.u32 s11, s6  }
0x15: {  	s13 =	sxor.u32 @!p0 $0xFFFFFFFF, s11  }
0x16: {  	s31 =	sadd.s32 $0xFFFFFFFF, s11;
	s14 =	sshll.u32 @!p0 s10, $0xA;
	s13 =	sshll.u32 @!p0 s13, $0xE  }
0x17: {  	s15 =	simm.s32 @!p0 $0x0;
	s14 =	sadd.s32 @!p0 s2, s14;
	s13 =	sand.u32 @!p0 $0x4000, s13  }
0x18: {  	[tilespmem:s13], [sflag:$0x1] =	stream.linear.gather @!p0 [hbm4b:s14+s15], $0x4000, $0x38;
	[tilespmem:$0x10000] =	vst v63  }
0x19: {  	p0 =	sge.u32 s31, s6  }
.Ltmp2:
0x1a: {  	_ = 	snop;
	(pc) =	sbr.rel @p0 .LBB1_9-.Ltmp2, $1  }
0x1b: {  	_ =	sdelay $0x3  }
0x1c: {  	s13 =	sshll.u32 s9, $0x2  }
0x1d: {  	_ =	swait.ge [sflag:s5], $0x4000;
	s14 =	sshll.u32 s11, $0xE;
	s16 =	simm.s32 $0x0  }
0x1e: {  	p1 =	por $0x1, $0x1;
	s13 =	sand.u32 $0x10000, s13;
	[sflag:s5] =	ssyncset.done $0x0  }
0x1f: {  	s14 =	sand.u32 $0x4000, s14;
	s15 =	sshrl.u32 s13, $0x2;
	[sflag:s5] =	ssyncadd.s32 $0xFFFFC000  }
0x20: {  	s13 =	sor.u32 $0x8000, s14;
	s14 =	sadd.s32 $0x8040, s15;
	s15 =	sadd.s32 $0x40, s15  }
.LBB1_3:
0x21: {  	s16 =	sshll.u32 s16, $0x2  }
0x22: {  	p0 =	por p1, p1;
	s17 =	sshra.s32 s16, $0x2  }
0x23: {  	s18 =	simm.s32 $0x0;
	s16 =	sadd.s32 s17, s14;
	s17 =	sadd.s32 s17, s15  }
.LBB1_4:
0x24: {  	v0 =	vmov s17;
	_ =	sdelay $0x3  }
0x25: {  	s20 =	simm.s32 $0x0  }
0x26: {  	v6 =	vld.idx.msk [tilespmem:v0+s20+$0x30 ss:$0x1], $0xffff  }
0x27: {  	v7 =	vld.idx.msk [tilespmem:v0+s20+$0xFFFFFFC0 ss:$0x1], $0xffff  }
0x28: {  	v5 =	vld.idx.msk [tilespmem:v0+s20+$0xFFFFFFD0 ss:$0x1], $0xffff  }
0x29: {  	v4 =	vld.idx.msk [tilespmem:v0+s20+$0xFFFFFFE0 ss:$0x1], $0xffff  }
0x2a: {  	v3 =	vld.idx.msk [tilespmem:v0+s20+$0xFFFFFFF0 ss:$0x1], $0xffff  }
0x2b: {  	v1 =	vld.idx.msk [tilespmem:v0+s20+$0x0 ss:$0x1], $0xffff  }
0x2c: {  	v2 =	vld.idx.msk [tilespmem:v0+s20+$0x10 ss:$0x1], $0xffff;
	[tilespmem:s16+$0x30] =	vst v6  }
0x2d: {  	s19 =	simm.s32 $0x80;
	s21 =	simm.s32 $0x400;
	[tilespmem:s16+$0xFFFFFFC0] =	vst v7;
	v6 =	vld.idx.msk [tilespmem:v0+s20+$0x20 ss:$0x1], $0xffff;
	s20 =	smov.u32 s16  }
.LBB1_5:
0x2e: {  	p1 =	sne.s32 s21, $0xE00;
	v7 =	vld.idx.msk [tilespmem:v0+s19+$0x30 ss:$0x1], $0xffff;
	[tilespmem:s20+$0xFFFFFFD0] =	vst v5  }
0x2f: {  	v8 =	vld.idx.msk [tilespmem:v0+s19+$0xFFFFFFC0 ss:$0x1], $0xffff;
	[tilespmem:s20+$0xFFFFFFE0] =	vst v4  }
0x30: {  	v5 =	vld.idx.msk [tilespmem:v0+s19+$0xFFFFFFD0 ss:$0x1], $0xffff;
	[tilespmem:s20+$0xFFFFFFF0] =	vst v3  }
.Ltmp3:
0x31: {  	v4 =	vld.idx.msk [tilespmem:v0+s19+$0xFFFFFFE0 ss:$0x1], $0xffff;
	[tilespmem:s20+$0x0] =	vst v1;
	(pc) =	sbr.rel @p1 .LBB1_5-.Ltmp3, $4  }
0x32: {  	v3 =	vld.idx.msk [tilespmem:v0+s19+$0xFFFFFFF0 ss:$0x1], $0xffff;
	[tilespmem:s20+$0x10] =	vst v2  }
0x33: {  	v1 =	vld.idx.msk [tilespmem:v0+s19+$0x0 ss:$0x1], $0xffff;
	[tilespmem:s20+$0x20] =	vst v6;
	s20 =	sadd.s32 $0x400, s20  }
0x34: {  	v2 =	vld.idx.msk [tilespmem:v0+s19+$0x10 ss:$0x1], $0xffff;
	[tilespmem:s20+$0x30] =	vst v7  }
0x35: {  	[tilespmem:s20+$0xFFFFFFC0] =	vst v8;
	v6 =	vld.idx.msk [tilespmem:v0+s19+$0x20 ss:$0x1], $0xffff;
	s19 =	sshra.s32 s21, $0x2;
	s21 =	sadd.s32 $0x200, s21  }
0x36: {  	_ =	sdelay $0x2  }
0x37: {  	[tilespmem:s20+$0xFFFFFFD0] =	vst v5  }
0x38: {  	v56 =	vld.idx.msk [tilespmem:v0+s19+$0x30 ss:$0x1], $0xffff;
	[tilespmem:s20+$0xFFFFFFE0] =	vst v4  }
0x39: {  	v57 =	vld.idx.msk [tilespmem:v0+s19+$0xFFFFFFC0 ss:$0x1], $0xffff;
	[tilespmem:s20+$0xFFFFFFF0] =	vst v3  }
0x3a: {  	v58 =	vld.idx.msk [tilespmem:v0+s19+$0xFFFFFFD0 ss:$0x1], $0xffff;
	[tilespmem:s20+$0x0] =	vst v1  }
0x3b: {  	v59 =	vld.idx.msk [tilespmem:v0+s19+$0xFFFFFFE0 ss:$0x1], $0xffff;
	[tilespmem:s20+$0x10] =	vst v2  }
0x3c: {  	v60 =	vld.idx.msk [tilespmem:v0+s19+$0xFFFFFFF0 ss:$0x1], $0xffff;
	s31 =	sadd.s32 $0x400, s20;
	[tilespmem:s20+$0x20] =	vst v6  }
0x3d: {  	v61 =	vld.idx.msk [tilespmem:v0+s19+$0x0 ss:$0x1], $0xffff;
	[tilespmem:s31+$0x30] =	vst v56  }
0x3e: {  	v62 =	vld.idx.msk [tilespmem:v0+s19+$0x10 ss:$0x1], $0xffff;
	s18 =	sadd.s32 $0x1, s18;
	[tilespmem:s31+$0xFFFFFFC0] =	vst v57  }
0x3f: {  	v63 =	vld.idx.msk [tilespmem:v0+s19+$0x20 ss:$0x1], $0xffff;
	p1 =	sne.s32 s18, $0x8;
	[tilespmem:s31+$0xFFFFFFD0] =	vst v58  }
.Ltmp4:
0x40: {  	[tilespmem:s31+$0xFFFFFFE0] =	vst v59;
	(pc) =	sbr.rel @p1 .LBB1_4-.Ltmp4, $4  }
0x41: {  	[tilespmem:s31+$0xFFFFFFF0] =	vst v60  }
0x42: {  	[tilespmem:s31+$0x0] =	vst v61  }
0x43: {  	[tilespmem:s31+$0x10] =	vst v62  }
0x44: {  	s16 =	sadd.s32 $0x80, s16;
	s17 =	sadd.s32 $0x400, s17;
	[tilespmem:s31+$0x20] =	vst v63  }
.Ltmp5:
0x45: {  	(pc) =	sbr.rel @p0 .LBB1_3-.Ltmp5, $2  }
0x46: {  	_ =	sdelay $0x2  }
0x47: {  	s16 =	simm.s32 $0x2000;
	p1 =	por $0x0, $0x0  }
.Ltmp6:
0x48: {  	(pc) =	sbr.rel .LBB1_9-.Ltmp6, $4  }
0x49: {  	_ = 	snop  }
0x4a: {  	s12 =	sshll.u32 s12, $0xA  }
0x4b: {  	s12 =	sadd.s32 s4, s12  }
0x4c: {  	[hbm4b:s12+s8] =	stream.linear.scatter [tilespmem:s13], [sflag:$0x2], $0x4000, $0x38;
	[tilespmem:$0x10000] =	vst v63  }
.LBB1_10:
0x4d: {  	_ =	sfence.sel $0x180000  }
0x4e: {  	s2 =	simm.s32 $0x1;
	[bflag:$0x0] =	sbarrier.arrive $0xFFFF  }
0x4f: {  	s31 =	simm.s32 $0x2;
	[sflag:s2] =	ssyncpa.u1 $0x1  }
0x50: {  	[sflag:s31] =	ssyncpa.u1 $0x1  }
0x51: {  	p0 =	sne.s32 s0, $0x0;
	_ =	strace $0x90000047  }
0x52: {  	s0 =	sadd.s32 @!p0 $0x100000, s1;
	[bflag:$0x2] =	sbarrier.arrive $0xFFFF  }
0x53: {  	[sflag:s0] =	ssyncadd.tile.s32 @!p0 $0x1;
	_ =	shalt  }
.Lfunc_end1:
_tile_overlayer_lowered:
.L_overlay_start_2:
0x54: {  	(tag) =	ssettag $0x2  }
0x55: {  	s0 =	rddreg [dreg:$0x0];
	s2 =	stileid.u32  }
0x56: {  	s1 =	rddreg [dreg:$0x1];
	p0 =	sne.s32 s2, $0x0  }
0x57: {  	s3 =	rddreg [dreg:$0x2];
	[bflag:$0x3] =	sbarrier.arrive $0xFFFF;
	s2 =	simm.s32 @!p0 $0x1C01  }
0x58: {  	[timem:s3], [sflag:s2] =	dma.local @!p0 [hbm:s0], s1  }
0x59: {  	s0 =	simm.s32 @!p0 $0x1  }
0x5a: {  	_ =	swait.ge @!p0 [sflag:s0], s1  }
0x5b: {  	s1 =	ssub.s32 @!p0 $0x0, s1;
	[sflag:s0] =	ssyncset.done @!p0 $0x0  }
0x5c: {  	[sflag:s0] =	ssyncadd.s32 @!p0 s1  }
0x5d: {  	[bflag:$0x3] =	sbarrier.arrive $0xFFFF  }
0x5e: {  	_ =	shalt  }

</sc_bundles>
